<compile_context>
chip_gen: v7x
topology: tpu7x:2x2x1
jax: 0.10.2.dev20260603
libtpu: 0.0.44.dev20260713+nightly
codegen_flags: <defaults>
</compile_context>

<pallas_src>
import functools

import jax
import jax.numpy as jnp
from jax import lax
from jax.experimental import pallas as pl
from jax.experimental.pallas import tpu as pltpu
from jax.experimental.pallas import tpu_sc as plsc

NUM_EMBEDDINGS = 1024
EMBEDDING_DIM = 64


ROWS_PER_BLOCK = 4608


def _argmin_body(x_ref, emb_ref, idx_ref):
    x = x_ref[...]
    emb = emb_ref[...]
    sim = lax.dot_general(
        x, emb, (((1,), (0,)), ((), ())),
        preferred_element_type=jnp.float32,
    )
    x_sq = jnp.sum(x * x, axis=1, keepdims=True)
    e_sq = jnp.sum(emb * emb, axis=0, keepdims=True)
    d = (x_sq + e_sq) - 2.0 * sim
    row_min = jnp.min(d, axis=1, keepdims=True)
    lane = lax.broadcasted_iota(jnp.int32, d.shape, 1)
    idx = jnp.min(jnp.where(d == row_min, lane, NUM_EMBEDDINGS), axis=1,
                  keepdims=True)
    idx_ref[...] = idx


def _compute_indices_call(flat_x, embeddings):
    n_rows = flat_x.shape[0]
    n_blocks = n_rows // ROWS_PER_BLOCK
    return pl.pallas_call(
        _argmin_body,
        grid=(n_blocks,),
        in_specs=[
            pl.BlockSpec((ROWS_PER_BLOCK, EMBEDDING_DIM), lambda i: (i, 0)),
            pl.BlockSpec((EMBEDDING_DIM, NUM_EMBEDDINGS), lambda i: (0, 0)),
        ],
        out_specs=pl.BlockSpec((ROWS_PER_BLOCK, 1), lambda i: (i, 0)),
        out_shape=jax.ShapeDtypeStruct((n_rows, 1), jnp.int32),
    )(flat_x, embeddings)



_GATHER_CHUNK = 96


def _make_gather(n_rows):
    info = plsc.get_sparse_core_info()
    _NC, _NS = info.num_cores, info.num_subcores
    _NW = _NC * _NS
    b_per_w = n_rows // _NW
    n_chunks = b_per_w // _GATHER_CHUNK
    mesh = plsc.VectorSubcoreMesh(core_axis_name="c", subcore_axis_name="s")

    @functools.partial(
        pl.kernel,
        mesh=mesh,
        out_type=jax.ShapeDtypeStruct((n_rows, EMBEDDING_DIM), jnp.float32),
        scratch_types=[
            pltpu.VMEM((b_per_w,), jnp.int32),
            pltpu.VMEM((b_per_w, EMBEDDING_DIM), jnp.float32),
            pltpu.SemaphoreType.DMA,
        ],
        compiler_params=pltpu.CompilerParams(use_tc_tiling_on_sc=False),
    )
    def gather_kernel(table_hbm, idx_hbm, out_hbm, idx_v, rows_v, sem):
        wid = lax.axis_index("s") * _NC + lax.axis_index("c")
        base = wid * b_per_w
        pltpu.sync_copy(idx_hbm.at[pl.ds(base, b_per_w)], idx_v)
        copies = []
        for ch in range(n_chunks):
            lo = ch * _GATHER_CHUNK
            copies.append(pltpu.async_copy(
                table_hbm.at[idx_v.at[pl.ds(lo, _GATHER_CHUNK)]],
                rows_v.at[pl.ds(lo, _GATHER_CHUNK)],
                sem,
            ))
        for c in copies:
            c.wait()
        pltpu.sync_copy(rows_v, out_hbm.at[pl.ds(base, b_per_w)])

    return gather_kernel


def kernel(x, embeddings):
    input_shape = x.shape
    flat = x.reshape(-1, EMBEDDING_DIM)
    idx = _compute_indices_call(flat, embeddings)
    table = embeddings.T
    gathered = _make_gather(flat.shape[0])(table, idx.reshape(-1))
    return gathered.reshape(input_shape)

# --- scband reference (transcript-rebuilt; emitter-appended) ---
"""Pipeline reference for scband-vector-quantizer-747324309715 (READ-ONLY COPY).

The authoritative reference and input builder live on the scoring server;
editing this copy changes nothing except your own understanding.
"""

import jax, jax.numpy as jnp
import numpy as np

NUM_EMBEDDINGS = 1024
EMBEDDING_DIM = 64
BETA = 0.25


def setup_inputs(seed: int = 0) -> dict:
    key = jax.random.key(seed)
    kx, kw = jax.random.split(key)
    x = jax.random.normal(kx, (32, 24, 24, 64), dtype=jnp.float32)
    # Keras tf.random_uniform_initializer default: uniform in [-0.05, 0.05]
    embeddings = jax.random.uniform(kw, (EMBEDDING_DIM, NUM_EMBEDDINGS), dtype=jnp.float32, minval=-0.05, maxval=0.05)
    return {"x": x, "embeddings": embeddings}


def get_code_indices(flattened_inputs, embeddings):
    similarity = flattened_inputs @ embeddings
    distances = (
        jnp.sum(flattened_inputs ** 2, axis=1, keepdims=True)
        + jnp.sum(embeddings ** 2, axis=0)
        - 2.0 * similarity
    )
    return jnp.argmin(distances, axis=1)


def reference(x, embeddings):
    input_shape = x.shape
    flattened = x.reshape(-1, EMBEDDING_DIM)
    encoding_indices = get_code_indices(flattened, embeddings)
    encodings = jax.nn.one_hot(encoding_indices, NUM_EMBEDDINGS, dtype=jnp.float32)
    quantized = encodings @ embeddings.T
    quantized = quantized.reshape(input_shape)
    # straight-through estimator
    quantized = x + jax.lax.stop_gradient(quantized - x)
    return quantized

if __name__ == "__main__":
    import jax
    _d = setup_inputs()
    print(jax.jit(kernel)(*tuple(_d.values())))

</pallas_src>

<mosaic_0001>
#map = affine_map<(d0, d1) -> (0, 0)>
#map1 = affine_map<(d0, d1) -> (0)>
module attributes {stable_mosaic.version = 14 : i64} {
  func.func @gather_kernel(%arg0: i32, %arg1: i32, %arg2: memref<1024x64xf32, #tpu.memory_space<hbm>>, %arg3: memref<18432xi32, #tpu.memory_space<hbm>>, %arg4: memref<18432x64xf32, #tpu.memory_space<hbm>>, %arg5: memref<576xi32, #tpu.memory_space<vmem>>, %arg6: memref<576x64xf32, #tpu.memory_space<vmem>>, %arg7: memref<!tpu.dma_semaphore, #tpu.memory_space<semaphore_mem>>) attributes {dimension_semantics = [#tpu.dimension_semantics<core_parallel>, #tpu.dimension_semantics<subcore_parallel>], iteration_bounds = array<i64: 2, 16>, scalar_prefetch = 0 : i64, scratch_operands = 3 : i64, tpu.core_type = #tpu.core_type<sc_vector_subcore>, window_params = [{transform_indices = #map}, {transform_indices = #map1}, {transform_indices = #map}]} {
    %mul3A = arith.constant 2 : i32
    %mul3A_0 = arith.muli %arg1, %mul3A : i32
    %add3A = arith.addi %mul3A_0, %arg0 : i32
    %mul3A_1 = arith.constant 576 : i32
    %mul3A_2 = arith.muli %add3A, %mul3A_1 : i32
    "tpu.region"() ({
      %run_scoped3A = tpu.sem_alloc : memref<!tpu.dma_semaphore, #tpu.memory_space<semaphore_mem>>
      %dma_start3A_97 = tpu.memref_slice %arg3[%mul3A_2] : memref<18432xi32, #tpu.memory_space<hbm>> -> memref<576xi32, #tpu.memory_space<hbm>>
      %dma_start3A_98 = tpu.memref_slice %arg3[%mul3A_2] : memref<18432xi32, #tpu.memory_space<hbm>> -> memref<576xi32, #tpu.memory_space<hbm>>
      tpu.enqueue_dma source(%dma_start3A_98 : memref<576xi32, #tpu.memory_space<hbm>>) target(%arg5 : memref<576xi32, #tpu.memory_space<vmem>>) target_semaphore(%run_scoped3A : memref<!tpu.dma_semaphore, #tpu.memory_space<semaphore_mem>>)
      %dma_wait3A_99 = tpu.memref_slice %arg3[%mul3A_2] : memref<18432xi32, #tpu.memory_space<hbm>> -> memref<576xi32, #tpu.memory_space<hbm>>
      %dma_wait3A_100 = tpu.memref_slice %arg3[%mul3A_2] : memref<18432xi32, #tpu.memory_space<hbm>> -> memref<576xi32, #tpu.memory_space<hbm>>
      tpu.wait_dma2 semaphore(%run_scoped3A : memref<!tpu.dma_semaphore, #tpu.memory_space<semaphore_mem>>) src(%dma_wait3A_100 : memref<576xi32, #tpu.memory_space<hbm>>) dst(%arg5 : memref<576xi32, #tpu.memory_space<vmem>>)
      tpu.yield
    }) : () -> ()
    %dma_start3A = arith.constant 0 : i32
    %dma_start3A_3 = arith.constant 0 : i32
    %dma_start3A_4 = tpu.memref_slice %arg6[%dma_start3A, %dma_start3A_3] : memref<576x64xf32, #tpu.memory_space<vmem>> -> memref<96x64xf32, #tpu.memory_space<vmem>>
    %dma_start3A_5 = arith.constant 0 : i32
    %dma_start3A_6 = tpu.memref_slice %arg5[%dma_start3A_5] : memref<576xi32, #tpu.memory_space<vmem>> -> memref<96xi32, #tpu.memory_space<vmem>>
    %dma_start3A_7 = arith.constant 0 : i32
    %dma_start3A_8 = arith.constant 0 : i32
    %dma_start3A_9 = tpu.memref_slice %arg2[%dma_start3A_7, %dma_start3A_8] : memref<1024x64xf32, #tpu.memory_space<hbm>> -> memref<1024x64xf32, #tpu.memory_space<hbm>>
    tpu.enqueue_indirect_dma source(%dma_start3A_9 : memref<1024x64xf32, #tpu.memory_space<hbm>>) target(%dma_start3A_4 : memref<96x64xf32, #tpu.memory_space<vmem>>) offsets(%dma_start3A_6 : memref<96xi32, #tpu.memory_space<vmem>>) semaphore(%arg7 : memref<!tpu.dma_semaphore, #tpu.memory_space<semaphore_mem>>)
    %dma_start3A_10 = arith.constant 96 : i32
    %dma_start3A_11 = arith.constant 0 : i32
    %dma_start3A_12 = tpu.memref_slice %arg6[%dma_start3A_10, %dma_start3A_11] : memref<576x64xf32, #tpu.memory_space<vmem>> -> memref<96x64xf32, #tpu.memory_space<vmem>>
    %dma_start3A_13 = arith.constant 96 : i32
    %dma_start3A_14 = tpu.memref_slice %arg5[%dma_start3A_13] : memref<576xi32, #tpu.memory_space<vmem>> -> memref<96xi32, #tpu.memory_space<vmem>>
    %dma_start3A_15 = arith.constant 0 : i32
    %dma_start3A_16 = arith.constant 0 : i32
    %dma_start3A_17 = tpu.memref_slice %arg2[%dma_start3A_15, %dma_start3A_16] : memref<1024x64xf32, #tpu.memory_space<hbm>> -> memref<1024x64xf32, #tpu.memory_space<hbm>>
    tpu.enqueue_indirect_dma source(%dma_start3A_17 : memref<1024x64xf32, #tpu.memory_space<hbm>>) target(%dma_start3A_12 : memref<96x64xf32, #tpu.memory_space<vmem>>) offsets(%dma_start3A_14 : memref<96xi32, #tpu.memory_space<vmem>>) semaphore(%arg7 : memref<!tpu.dma_semaphore, #tpu.memory_space<semaphore_mem>>)
    %dma_start3A_18 = arith.constant 192 : i32
    %dma_start3A_19 = arith.constant 0 : i32
    %dma_start3A_20 = tpu.memref_slice %arg6[%dma_start3A_18, %dma_start3A_19] : memref<576x64xf32, #tpu.memory_space<vmem>> -> memref<96x64xf32, #tpu.memory_space<vmem>>
    %dma_start3A_21 = arith.constant 192 : i32
    %dma_start3A_22 = tpu.memref_slice %arg5[%dma_start3A_21] : memref<576xi32, #tpu.memory_space<vmem>> -> memref<96xi32, #tpu.memory_space<vmem>>
    %dma_start3A_23 = arith.constant 0 : i32
    %dma_start3A_24 = arith.constant 0 : i32
    %dma_start3A_25 = tpu.memref_slice %arg2[%dma_start3A_23, %dma_start3A_24] : memref<1024x64xf32, #tpu.memory_space<hbm>> -> memref<1024x64xf32, #tpu.memory_space<hbm>>
    tpu.enqueue_indirect_dma source(%dma_start3A_25 : memref<1024x64xf32, #tpu.memory_space<hbm>>) target(%dma_start3A_20 : memref<96x64xf32, #tpu.memory_space<vmem>>) offsets(%dma_start3A_22 : memref<96xi32, #tpu.memory_space<vmem>>) semaphore(%arg7 : memref<!tpu.dma_semaphore, #tpu.memory_space<semaphore_mem>>)
    %dma_start3A_26 = arith.constant 288 : i32
    %dma_start3A_27 = arith.constant 0 : i32
    %dma_start3A_28 = tpu.memref_slice %arg6[%dma_start3A_26, %dma_start3A_27] : memref<576x64xf32, #tpu.memory_space<vmem>> -> memref<96x64xf32, #tpu.memory_space<vmem>>
    %dma_start3A_29 = arith.constant 288 : i32
    %dma_start3A_30 = tpu.memref_slice %arg5[%dma_start3A_29] : memref<576xi32, #tpu.memory_space<vmem>> -> memref<96xi32, #tpu.memory_space<vmem>>
    %dma_start3A_31 = arith.constant 0 : i32
    %dma_start3A_32 = arith.constant 0 : i32
    %dma_start3A_33 = tpu.memref_slice %arg2[%dma_start3A_31, %dma_start3A_32] : memref<1024x64xf32, #tpu.memory_space<hbm>> -> memref<1024x64xf32, #tpu.memory_space<hbm>>
    tpu.enqueue_indirect_dma source(%dma_start3A_33 : memref<1024x64xf32, #tpu.memory_space<hbm>>) target(%dma_start3A_28 : memref<96x64xf32, #tpu.memory_space<vmem>>) offsets(%dma_start3A_30 : memref<96xi32, #tpu.memory_space<vmem>>) semaphore(%arg7 : memref<!tpu.dma_semaphore, #tpu.memory_space<semaphore_mem>>)
    %dma_start3A_34 = arith.constant 384 : i32
    %dma_start3A_35 = arith.constant 0 : i32
    %dma_start3A_36 = tpu.memref_slice %arg6[%dma_start3A_34, %dma_start3A_35] : memref<576x64xf32, #tpu.memory_space<vmem>> -> memref<96x64xf32, #tpu.memory_space<vmem>>
    %dma_start3A_37 = arith.constant 384 : i32
    %dma_start3A_38 = tpu.memref_slice %arg5[%dma_start3A_37] : memref<576xi32, #tpu.memory_space<vmem>> -> memref<96xi32, #tpu.memory_space<vmem>>
    %dma_start3A_39 = arith.constant 0 : i32
    %dma_start3A_40 = arith.constant 0 : i32
    %dma_start3A_41 = tpu.memref_slice %arg2[%dma_start3A_39, %dma_start3A_40] : memref<1024x64xf32, #tpu.memory_space<hbm>> -> memref<1024x64xf32, #tpu.memory_space<hbm>>
    tpu.enqueue_indirect_dma source(%dma_start3A_41 : memref<1024x64xf32, #tpu.memory_space<hbm>>) target(%dma_start3A_36 : memref<96x64xf32, #tpu.memory_space<vmem>>) offsets(%dma_start3A_38 : memref<96xi32, #tpu.memory_space<vmem>>) semaphore(%arg7 : memref<!tpu.dma_semaphore, #tpu.memory_space<semaphore_mem>>)
    %dma_start3A_42 = arith.constant 480 : i32
    %dma_start3A_43 = arith.constant 0 : i32
    %dma_start3A_44 = tpu.memref_slice %arg6[%dma_start3A_42, %dma_start3A_43] : memref<576x64xf32, #tpu.memory_space<vmem>> -> memref<96x64xf32, #tpu.memory_space<vmem>>
    %dma_start3A_45 = arith.constant 480 : i32
    %dma_start3A_46 = tpu.memref_slice %arg5[%dma_start3A_45] : memref<576xi32, #tpu.memory_space<vmem>> -> memref<96xi32, #tpu.memory_space<vmem>>
    %dma_start3A_47 = arith.constant 0 : i32
    %dma_start3A_48 = arith.constant 0 : i32
    %dma_start3A_49 = tpu.memref_slice %arg2[%dma_start3A_47, %dma_start3A_48] : memref<1024x64xf32, #tpu.memory_space<hbm>> -> memref<1024x64xf32, #tpu.memory_space<hbm>>
    tpu.enqueue_indirect_dma source(%dma_start3A_49 : memref<1024x64xf32, #tpu.memory_space<hbm>>) target(%dma_start3A_44 : memref<96x64xf32, #tpu.memory_space<vmem>>) offsets(%dma_start3A_46 : memref<96xi32, #tpu.memory_space<vmem>>) semaphore(%arg7 : memref<!tpu.dma_semaphore, #tpu.memory_space<semaphore_mem>>)
    %dma_wait3A = arith.constant 0 : i32
    %dma_wait3A_50 = arith.constant 0 : i32
    %dma_wait3A_51 = tpu.memref_slice %arg6[%dma_wait3A, %dma_wait3A_50] : memref<576x64xf32, #tpu.memory_space<vmem>> -> memref<96x64xf32, #tpu.memory_space<vmem>>
    %dma_wait3A_52 = arith.constant 0 : i32
    %dma_wait3A_53 = tpu.memref_slice %arg5[%dma_wait3A_52] : memref<576xi32, #tpu.memory_space<vmem>> -> memref<96xi32, #tpu.memory_space<vmem>>
    %dma_wait3A_54 = arith.constant 0 : i32
    %dma_wait3A_55 = arith.constant 0 : i32
    %dma_wait3A_56 = tpu.memref_slice %arg2[%dma_wait3A_54, %dma_wait3A_55] : memref<1024x64xf32, #tpu.memory_space<hbm>> -> memref<1024x64xf32, #tpu.memory_space<hbm>>
    tpu.wait_indirect_dma semaphore(%arg7 : memref<!tpu.dma_semaphore, #tpu.memory_space<semaphore_mem>>) src(%dma_wait3A_56 : memref<1024x64xf32, #tpu.memory_space<hbm>>) dst(%dma_wait3A_51 : memref<96x64xf32, #tpu.memory_space<vmem>>)
    %dma_wait3A_57 = arith.constant 96 : i32
    %dma_wait3A_58 = arith.constant 0 : i32
    %dma_wait3A_59 = tpu.memref_slice %arg6[%dma_wait3A_57, %dma_wait3A_58] : memref<576x64xf32, #tpu.memory_space<vmem>> -> memref<96x64xf32, #tpu.memory_space<vmem>>
    %dma_wait3A_60 = arith.constant 96 : i32
    %dma_wait3A_61 = tpu.memref_slice %arg5[%dma_wait3A_60] : memref<576xi32, #tpu.memory_space<vmem>> -> memref<96xi32, #tpu.memory_space<vmem>>
    %dma_wait3A_62 = arith.constant 0 : i32
    %dma_wait3A_63 = arith.constant 0 : i32
    %dma_wait3A_64 = tpu.memref_slice %arg2[%dma_wait3A_62, %dma_wait3A_63] : memref<1024x64xf32, #tpu.memory_space<hbm>> -> memref<1024x64xf32, #tpu.memory_space<hbm>>
    tpu.wait_indirect_dma semaphore(%arg7 : memref<!tpu.dma_semaphore, #tpu.memory_space<semaphore_mem>>) src(%dma_wait3A_64 : memref<1024x64xf32, #tpu.memory_space<hbm>>) dst(%dma_wait3A_59 : memref<96x64xf32, #tpu.memory_space<vmem>>)
    %dma_wait3A_65 = arith.constant 192 : i32
    %dma_wait3A_66 = arith.constant 0 : i32
    %dma_wait3A_67 = tpu.memref_slice %arg6[%dma_wait3A_65, %dma_wait3A_66] : memref<576x64xf32, #tpu.memory_space<vmem>> -> memref<96x64xf32, #tpu.memory_space<vmem>>
    %dma_wait3A_68 = arith.constant 192 : i32
    %dma_wait3A_69 = tpu.memref_slice %arg5[%dma_wait3A_68] : memref<576xi32, #tpu.memory_space<vmem>> -> memref<96xi32, #tpu.memory_space<vmem>>
    %dma_wait3A_70 = arith.constant 0 : i32
    %dma_wait3A_71 = arith.constant 0 : i32
    %dma_wait3A_72 = tpu.memref_slice %arg2[%dma_wait3A_70, %dma_wait3A_71] : memref<1024x64xf32, #tpu.memory_space<hbm>> -> memref<1024x64xf32, #tpu.memory_space<hbm>>
    tpu.wait_indirect_dma semaphore(%arg7 : memref<!tpu.dma_semaphore, #tpu.memory_space<semaphore_mem>>) src(%dma_wait3A_72 : memref<1024x64xf32, #tpu.memory_space<hbm>>) dst(%dma_wait3A_67 : memref<96x64xf32, #tpu.memory_space<vmem>>)
    %dma_wait3A_73 = arith.constant 288 : i32
    %dma_wait3A_74 = arith.constant 0 : i32
    %dma_wait3A_75 = tpu.memref_slice %arg6[%dma_wait3A_73, %dma_wait3A_74] : memref<576x64xf32, #tpu.memory_space<vmem>> -> memref<96x64xf32, #tpu.memory_space<vmem>>
    %dma_wait3A_76 = arith.constant 288 : i32
    %dma_wait3A_77 = tpu.memref_slice %arg5[%dma_wait3A_76] : memref<576xi32, #tpu.memory_space<vmem>> -> memref<96xi32, #tpu.memory_space<vmem>>
    %dma_wait3A_78 = arith.constant 0 : i32
    %dma_wait3A_79 = arith.constant 0 : i32
    %dma_wait3A_80 = tpu.memref_slice %arg2[%dma_wait3A_78, %dma_wait3A_79] : memref<1024x64xf32, #tpu.memory_space<hbm>> -> memref<1024x64xf32, #tpu.memory_space<hbm>>
    tpu.wait_indirect_dma semaphore(%arg7 : memref<!tpu.dma_semaphore, #tpu.memory_space<semaphore_mem>>) src(%dma_wait3A_80 : memref<1024x64xf32, #tpu.memory_space<hbm>>) dst(%dma_wait3A_75 : memref<96x64xf32, #tpu.memory_space<vmem>>)
    %dma_wait3A_81 = arith.constant 384 : i32
    %dma_wait3A_82 = arith.constant 0 : i32
    %dma_wait3A_83 = tpu.memref_slice %arg6[%dma_wait3A_81, %dma_wait3A_82] : memref<576x64xf32, #tpu.memory_space<vmem>> -> memref<96x64xf32, #tpu.memory_space<vmem>>
    %dma_wait3A_84 = arith.constant 384 : i32
    %dma_wait3A_85 = tpu.memref_slice %arg5[%dma_wait3A_84] : memref<576xi32, #tpu.memory_space<vmem>> -> memref<96xi32, #tpu.memory_space<vmem>>
    %dma_wait3A_86 = arith.constant 0 : i32
    %dma_wait3A_87 = arith.constant 0 : i32
    %dma_wait3A_88 = tpu.memref_slice %arg2[%dma_wait3A_86, %dma_wait3A_87] : memref<1024x64xf32, #tpu.memory_space<hbm>> -> memref<1024x64xf32, #tpu.memory_space<hbm>>
    tpu.wait_indirect_dma semaphore(%arg7 : memref<!tpu.dma_semaphore, #tpu.memory_space<semaphore_mem>>) src(%dma_wait3A_88 : memref<1024x64xf32, #tpu.memory_space<hbm>>) dst(%dma_wait3A_83 : memref<96x64xf32, #tpu.memory_space<vmem>>)
    %dma_wait3A_89 = arith.constant 480 : i32
    %dma_wait3A_90 = arith.constant 0 : i32
    %dma_wait3A_91 = tpu.memref_slice %arg6[%dma_wait3A_89, %dma_wait3A_90] : memref<576x64xf32, #tpu.memory_space<vmem>> -> memref<96x64xf32, #tpu.memory_space<vmem>>
    %dma_wait3A_92 = arith.constant 480 : i32
    %dma_wait3A_93 = tpu.memref_slice %arg5[%dma_wait3A_92] : memref<576xi32, #tpu.memory_space<vmem>> -> memref<96xi32, #tpu.memory_space<vmem>>
    %dma_wait3A_94 = arith.constant 0 : i32
    %dma_wait3A_95 = arith.constant 0 : i32
    %dma_wait3A_96 = tpu.memref_slice %arg2[%dma_wait3A_94, %dma_wait3A_95] : memref<1024x64xf32, #tpu.memory_space<hbm>> -> memref<1024x64xf32, #tpu.memory_space<hbm>>
    tpu.wait_indirect_dma semaphore(%arg7 : memref<!tpu.dma_semaphore, #tpu.memory_space<semaphore_mem>>) src(%dma_wait3A_96 : memref<1024x64xf32, #tpu.memory_space<hbm>>) dst(%dma_wait3A_91 : memref<96x64xf32, #tpu.memory_space<vmem>>)
    "tpu.region"() ({
      %run_scoped3A = tpu.sem_alloc : memref<!tpu.dma_semaphore, #tpu.memory_space<semaphore_mem>>
      %dma_start3A_97 = arith.constant 0 : i32
      %dma_start3A_98 = tpu.memref_slice %arg4[%mul3A_2, %dma_start3A_97] : memref<18432x64xf32, #tpu.memory_space<hbm>> -> memref<576x64xf32, #tpu.memory_space<hbm>>
      %dma_start3A_99 = arith.constant 0 : i32
      %dma_start3A_100 = tpu.memref_slice %arg4[%mul3A_2, %dma_start3A_99] : memref<18432x64xf32, #tpu.memory_space<hbm>> -> memref<576x64xf32, #tpu.memory_space<hbm>>
      tpu.enqueue_dma source(%arg6 : memref<576x64xf32, #tpu.memory_space<vmem>>) target(%dma_start3A_100 : memref<576x64xf32, #tpu.memory_space<hbm>>) target_semaphore(%run_scoped3A : memref<!tpu.dma_semaphore, #tpu.memory_space<semaphore_mem>>)
      %dma_wait3A_101 = arith.constant 0 : i32
      %dma_wait3A_102 = tpu.memref_slice %arg4[%mul3A_2, %dma_wait3A_101] : memref<18432x64xf32, #tpu.memory_space<hbm>> -> memref<576x64xf32, #tpu.memory_space<hbm>>
      %dma_wait3A_103 = arith.constant 0 : i32
      %dma_wait3A_104 = tpu.memref_slice %arg4[%mul3A_2, %dma_wait3A_103] : memref<18432x64xf32, #tpu.memory_space<hbm>> -> memref<576x64xf32, #tpu.memory_space<hbm>>
      tpu.wait_dma2 semaphore(%run_scoped3A : memref<!tpu.dma_semaphore, #tpu.memory_space<semaphore_mem>>) src(%arg6 : memref<576x64xf32, #tpu.memory_space<vmem>>) dst(%dma_wait3A_104 : memref<576x64xf32, #tpu.memory_space<hbm>>)
      tpu.yield
    }) : () -> ()
    return
  }
}

module attributes {stable_mosaic.version = 14 : i64} {
  func.func @_argmin_body(%arg0: i32, %arg1: memref<4608x64xf32, #tpu.memory_space<vmem>>, %arg2: memref<64x1024xf32, #tpu.memory_space<vmem>>, %arg3: memref<4608x1xi32, #tpu.memory_space<vmem>>) attributes {dimension_semantics = [#tpu.dimension_semantics<arbitrary>], iteration_bounds = array<i64: 4>, scalar_prefetch = 0 : i64, scratch_operands = 0 : i64, tpu.core_type = #tpu.core_type<tc>, window_params = [{transform_indices = @transform_0, window_bounds = array<i64: 4608, 64>}, {pipeline_mode = #tpu.pipeline_mode<synchronous>, transform_indices = @transform_1, window_bounds = array<i64: 64, 1024>}, {transform_indices = @transform_2, window_bounds = array<i64: 4608, 1>}]} {
    %get3A = arith.constant 0 : index
    %get3A_0 = arith.constant 0 : index
    %get3A_1 = vector.load %arg1[%get3A, %get3A_0] : memref<4608x64xf32, #tpu.memory_space<vmem>>, vector<4608x64xf32>
    %get3A_2 = arith.constant 0 : index
    %get3A_3 = arith.constant 0 : index
    %get3A_4 = vector.load %arg2[%get3A_2, %get3A_3] : memref<64x1024xf32, #tpu.memory_space<vmem>>, vector<64x1024xf32>
    %dot_general3A = arith.constant dense<0.000000e+00> : vector<4608x1024xf32>
    %dot_general3A_5 = tpu.matmul %get3A_1, %get3A_4, %dot_general3A {dimension_numbers = #tpu.dot_dimension_numbers<[1], [0], [0], [1], [0, 0, 1, 1], [], []>, transpose_lhs_hint = false} : vector<4608x64xf32>, vector<64x1024xf32>, vector<4608x1024xf32> -> vector<4608x1024xf32>
    %mul3A = arith.mulf %get3A_1, %get3A_1 : vector<4608x64xf32>
    %reduce_sum3A = arith.constant dense<0.000000e+00> : vector<4608xf32>
    %reduce_sum3A_6 = vector.multi_reduction <add>, %mul3A, %reduce_sum3A [1] : vector<4608x64xf32> to vector<4608xf32>
    %broadcast_in_dim3A = vector.shape_cast %reduce_sum3A_6 : vector<4608xf32> to vector<4608x1xf32>
    %mul3A_7 = arith.mulf %get3A_4, %get3A_4 : vector<64x1024xf32>
    %reduce_sum3A_8 = arith.constant dense<0.000000e+00> : vector<1024xf32>
    %reduce_sum3A_9 = vector.multi_reduction <add>, %mul3A_7, %reduce_sum3A_8 [0] : vector<64x1024xf32> to vector<1024xf32>
    %broadcast_in_dim3A_10 = vector.shape_cast %reduce_sum3A_9 : vector<1024xf32> to vector<1x1024xf32>
    %add3A = vector.broadcast %broadcast_in_dim3A : vector<4608x1xf32> to vector<4608x1024xf32>
    %add3A_11 = vector.broadcast %broadcast_in_dim3A_10 : vector<1x1024xf32> to vector<4608x1024xf32>
    %add3A_12 = arith.addf %add3A, %add3A_11 : vector<4608x1024xf32>
    %mul3A_13 = arith.constant 2.000000e+00 : f32
    %mul3A_14 = vector.broadcast %mul3A_13 : f32 to vector<4608x1024xf32>
    %mul3A_15 = arith.mulf %mul3A_14, %dot_general3A_5 : vector<4608x1024xf32>
    %sub3A = arith.subf %add3A_12, %mul3A_15 : vector<4608x1024xf32>
    %reduce_min3A = arith.constant dense<0x7F800000> : vector<4608xf32>
    %reduce_min3A_16 = vector.multi_reduction <minimumf>, %sub3A, %reduce_min3A [1] : vector<4608x1024xf32> to vector<4608xf32>
    %broadcast_in_dim3A_17 = vector.shape_cast %reduce_min3A_16 : vector<4608xf32> to vector<4608x1xf32>
    %iota3A = tpu.iota {dimensions = array<i32: 1>} : vector<4608x1024xi32>
    %eq3A = vector.broadcast %broadcast_in_dim3A_17 : vector<4608x1xf32> to vector<4608x1024xf32>
    %eq3A_18 = arith.cmpf oeq, %sub3A, %eq3A : vector<4608x1024xf32>
    %jit3A = arith.constant 1024 : i32
    %broadcast_in_dim3A_19 = vector.broadcast %jit3A : i32 to vector<4608x1024xi32>
    %select_n3A = arith.select %eq3A_18, %iota3A, %broadcast_in_dim3A_19 : vector<4608x1024xi1>, vector<4608x1024xi32>
    %reduce_min3A_20 = arith.constant dense<2147483647> : vector<4608xi32>
    %reduce_min3A_21 = vector.multi_reduction <minsi>, %select_n3A, %reduce_min3A_20 [1] : vector<4608x1024xi32> to vector<4608xi32>
    %broadcast_in_dim3A_22 = vector.shape_cast %reduce_min3A_21 : vector<4608xi32> to vector<4608x1xi32>
    %swap3A = arith.constant 0 : index
    %swap3A_23 = arith.constant 0 : index
    %swap3A_24 = vector.load %arg3[%swap3A, %swap3A_23] : memref<4608x1xi32, #tpu.memory_space<vmem>>, vector<4608x1xi32>
    tpu.vector_store %arg3[%swap3A, %swap3A_23], %broadcast_in_dim3A_22 {strides = array<i32>} : memref<4608x1xi32, #tpu.memory_space<vmem>>, vector<4608x1xi32>,
    return
  }
  func.func @transform_0(%arg0: i32) -> (i32, i32) {
    %c0_i32 = arith.constant 0 : i32
    %c0_i32_0 = arith.constant 0 : i32
    return %arg0, %c0_i32 : i32, i32
  }
  func.func @transform_1(%arg0: i32) -> (i32, i32) {
    %c0_i32 = arith.constant 0 : i32
    %c0_i32_0 = arith.constant 0 : i32
    %c0_i32_1 = arith.constant 0 : i32
    return %c0_i32, %c0_i32_0 : i32, i32
  }
  func.func @transform_2(%arg0: i32) -> (i32, i32) {
    %c0_i32 = arith.constant 0 : i32
    %c0_i32_0 = arith.constant 0 : i32
    return %arg0, %c0_i32 : i32, i32
  }
}

</mosaic_0001>

<sc_bundles>
// kernel: kernel.4.cloned.1.call-start
scs
__scs_entry_jumppad:
0x0: {  	(pc) =	sbr.rel $0x88, $3  }
0x1: {  	(tag) =	ssettag $0x0;
	lr =	simm.s32 $0x1  }
0x2: {  	[smem:$0x3F9F] =	sst lr;
	_ =	strace $0xD0000000  }
0x3: {  	_ = 	snop  }
0x4: {  	_ = 	snop  }
0x5: {  	_ = 	snop  }
0x6: {  	_ = 	snop  }
0x7: {  	_ = 	snop  }
__scs_overlays_trampoline_lowered:
0x8: {  	[smem:$0x3FAE] =	sst s0  }
0x9: {  	[smem:$0x3FAF] =	sst s1  }
0xa: {  	[smem:$0x3FB0] =	sst s2  }
0xb: {  	[smem:$0x3FB1] =	sst s3  }
0xc: {  	[smem:$0x3FB2] =	sst s4  }
0xd: {  	[smem:$0x3FB3] =	sst s5  }
0xe: {  	[smem:$0x3FB4] =	sst s6  }
0xf: {  	[smem:$0x3FB5] =	sst s7  }
0x10: {  	[smem:$0x3FB6] =	sst s8  }
0x11: {  	[smem:$0x3FB7] =	sst s9;
	s0 =	simm.s32 @!p0 $0x0  }
0x12: {  	s1 =	sld [smem:$0x3F9D];
	s0 =	simm.s32 @p0 $0x1  }
0x13: {  	[smem:$0x3FB8] =	sst s0;
	s0 =	simm.s32 @!p1 $0x0  }
0x14: {  	s2 =	sld [smem:$0x3F9C];
	s0 =	simm.s32 @p1 $0x1  }
0x15: {  	[smem:$0x3FB9] =	sst s0;
	s0 =	simm.s32 @!p2 $0x0  }
0x16: {  	s3 =	sld [smem:$0x3FDB];
	s0 =	simm.s32 @p2 $0x1  }
0x17: {  	s4 =	simm.s32 $0x1BF5;
	[smem:$0x3FBB] =	sst s0  }
0x18: {  	s0 =	sld [smem:$0x3F9E];
	_ =	swait.ge [sflag:s4], $0x0  }
0x19: {  	s7 =	sld [smem:$0x3F9F]  }
0x1a: {  	s8 =	sadd.s32 $0xFFFFE003, lr  }
0x1b: {  	s9 =	sadd.s32 $0xFFFFFEF7, lr;
	s5 =	simm.s32 $0xFFFFFFFF;
	p2 =	slt.u32 s8, $0xFFFFF086  }
0x1c: {  	p1 =	slt.u32 s9, $0xF7A;
	s5 =	simm.s32 @!p2 $0x0  }
0x1d: {  	s5 =	simm.s32 @p1 $0x1;
	p0 =	seq.s32 s7, s2  }
0x1e: {  	s7 =	smul.u32 @!p0 $0xF7A, s2;
	p2 =	seq.s32 @!p0 s5, $0x0  }
0x1f: {  	s9 =	smul.u32 $0xF7A, s1;
	s8 =	simm.s32 @!p0 $0x1BF5;
	p2 =	por !p2, p0  }
0x20: {  	[sflag:s8] =	ssyncset.s32 @!p0 $0xFFFFF086;
	s6 =	sadd.s32 @!p0 s3, s7;
	s7 =	simm.s32 @!p0 $0x108  }
0x21: {  	s3 =	sadd.s32 s3, s9;
	s6 =	sadd.s32 @!p0 $0x88, s6;
	s7 =	simm.s32 @p2 $0x1082  }
0x22: {  	[simem:s7], [sflag:s8] =	dma.local @!p0 [hbm:s6], $0xF7A  }
0x23: {  	s9 =	sor.u32 $0xD0000000, s2;
	s6 =	simm.s32 $0x108;
	_ =	swait.ge @!p0 [sflag:s8], $0x0  }
0x24: {  	s3 =	sadd.s32 $0x88, s3;
	s6 =	simm.s32 @!p1 $0x1082;
	[sflag:s4] =	ssyncset.s32 $0xFFFFF086  }
0x25: {  	[simem:s6], [sflag:s4] =	dma.local [hbm:s3], $0xF7A  }
0x26: {  	[smem:$0x3F9F] =	sst s1;
	(tag) =	ssettag s2;
	_ =	strace s9  }
0x27: {  	s1 =	sld [smem:$0x3FAF]  }
0x28: {  	s2 =	sld [smem:$0x3FB0]  }
0x29: {  	s4 =	sld [smem:$0x3FB2]  }
0x2a: {  	p0 =	seq.s32 s5, $0x0;
	s5 =	sld [smem:$0x3FB3]  }
0x2b: {  	s6 =	sld [smem:$0x3FB4]  }
0x2c: {  	s7 =	sld [smem:$0x3FB5]  }
0x2d: {  	s3 =	simm.s32 $0x108;
	s8 =	sld [smem:$0x3FB6]  }
0x2e: {  	s3 =	simm.s32 @!p0 $0x1082;
	s9 =	sld [smem:$0x3FB7]  }
0x2f: {  	lr =	sadd.s32 s0, s3;
	s0 =	sld [smem:$0x3FAE]  }
0x30: {  	s3 =	sld [smem:$0x3FB1]  }
0x31: {  	[smem:$0x3FBA] =	sst s10  }
0x32: {  	s10 =	sld [smem:$0x3FB8];
	_ =	sdelay $0x3  }
0x33: {  	p0 =	seq.s32 s10, $0x1;
	s10 =	sld [smem:$0x3FBA];
	_ =	sdelay $0x3  }
0x34: {  	[smem:$0x3FBA] =	sst s10  }
0x35: {  	s10 =	sld [smem:$0x3FB9];
	_ =	sdelay $0x3  }
0x36: {  	p1 =	seq.s32 s10, $0x1;
	s10 =	sld [smem:$0x3FBA];
	_ =	sdelay $0x3  }
0x37: {  	[smem:$0x3FBA] =	sst s10  }
0x38: {  	s10 =	sld [smem:$0x3FBB]  }
0x39: {  	_ = 	snop;
	(pc) =	sbr.ind lr, $3  }
0x3a: {  	_ = 	snop  }
0x3b: {  	_ = 	snop  }
0x3c: {  	p2 =	seq.s32 s10, $0x1;
	s10 =	sld [smem:$0x3FBA]  }
0x3d: {  	_ =	shalt  }
0x3e: {  	_ =	shalt  }
0x3f: {  	_ =	shalt  }
0x40: {  	_ =	shalt  }
0x41: {  	_ =	shalt  }
0x42: {  	_ =	shalt  }
0x43: {  	_ =	shalt  }
0x44: {  	_ =	shalt  }
0x45: {  	_ =	shalt  }
0x46: {  	_ =	shalt  }
0x47: {  	_ =	shalt  }
0x48: {  	_ =	shalt  }
0x49: {  	_ =	shalt  }
0x4a: {  	_ =	shalt  }
0x4b: {  	_ =	shalt  }
0x4c: {  	_ =	shalt  }
0x4d: {  	_ =	shalt  }
0x4e: {  	_ =	shalt  }
0x4f: {  	_ =	shalt  }
0x50: {  	_ =	shalt  }
0x51: {  	_ =	shalt  }
0x52: {  	_ =	shalt  }
0x53: {  	_ =	shalt  }
0x54: {  	_ =	shalt  }
0x55: {  	_ =	shalt  }
0x56: {  	_ =	shalt  }
0x57: {  	_ =	shalt  }
0x58: {  	_ =	shalt  }
0x59: {  	_ =	shalt  }
0x5a: {  	_ =	shalt  }
0x5b: {  	_ =	shalt  }
0x5c: {  	_ =	shalt  }
0x5d: {  	_ =	shalt  }
0x5e: {  	_ =	shalt  }
0x5f: {  	_ =	shalt  }
0x60: {  	_ =	shalt  }
0x61: {  	_ =	shalt  }
0x62: {  	_ =	shalt  }
0x63: {  	_ =	shalt  }
0x64: {  	_ =	shalt  }
0x65: {  	_ =	shalt  }
0x66: {  	_ =	shalt  }
0x67: {  	_ =	shalt  }
0x68: {  	_ =	shalt  }
0x69: {  	_ =	shalt  }
0x6a: {  	_ =	shalt  }
0x6b: {  	_ =	shalt  }
0x6c: {  	_ =	shalt  }
0x6d: {  	_ =	shalt  }
0x6e: {  	_ =	shalt  }
0x6f: {  	_ =	shalt  }
0x70: {  	_ =	shalt  }
0x71: {  	_ =	shalt  }
0x72: {  	_ =	shalt  }
0x73: {  	_ =	shalt  }
0x74: {  	_ =	shalt  }
0x75: {  	_ =	shalt  }
0x76: {  	_ =	shalt  }
0x77: {  	_ =	shalt  }
0x78: {  	_ =	shalt  }
0x79: {  	_ =	shalt  }
0x7a: {  	_ =	shalt  }
0x7b: {  	_ =	shalt  }
0x7c: {  	_ =	shalt  }
0x7d: {  	_ =	shalt  }
0x7e: {  	_ =	shalt  }
0x7f: {  	_ =	shalt  }
0x80: {  	_ =	shalt  }
0x81: {  	_ =	shalt  }
0x82: {  	_ =	shalt  }
0x83: {  	_ =	shalt  }
0x84: {  	_ =	shalt  }
0x85: {  	_ =	shalt  }
0x86: {  	_ =	shalt  }
0x87: {  	_ =	shalt  }
.Lfunc_end0:
.L_simem_size_0:
called_computation_lowered:
.L_overlay_start_0:
0x88: {  	s2 =	sld [smem:$0x3FD9]  }
0x89: {  	s3 =	sld [smem:$0x3FFE];
	_ =	sdelay $0x1  }
0x8a: {  	s1 =	srdreg.scid  }
0x8b: {  	s0 =	sand.u32 $0x1, s1  }
0x8c: {  	s17 =	sshll.u32 s0, $0xA;
	s2 =	sadd.s32 s3, s2  }
0x8d: {  	s2 =	sadd.s32 s2, s17  }
0x8e: {  	[smem:$0x3FC6] =	sst s2  }
0x8f: {  	_ = 	snop  }
0x90: {  	s2 =	sld [smem:$0x3FD0];
	(tm) =	ssettm $0x1  }
0x91: {  	s18 =	sld [smem:$0x3FFB];
	_ =	sdelay $0x3  }
0x92: {  	_ =	strace s18  }
0x93: {  	s3 =	sld [smem:$0x3FFC];
	_ =	sdelay $0x3  }
0x94: {  	_ =	strace s3  }
0x95: {  	s3 =	sld [smem:$0x3FFD];
	_ =	sdelay $0x3  }
0x96: {  	_ =	strace s3  }
0x97: {  	_ =	strace $0x8FFFFFFF  }
0x98: {  	s19 =	sld [smem:$0x3FDB];
	_ =	sdelay $0x1  }
0x99: {  	s4 =	simm.s32 $_scs_section_size  }
0x9a: {  	s5 =	simm.s32 $_size__tile_overlayer_lowered;
	s6 =	simm.s32 $_tile_overlayer_lowered  }
0x9b: {  	s22 =	simm.s32 $0x1BFF;
	s21 =	sshll.u32 s6, $0x1;
	s3 =	sadd.s32 s4, s19  }
0x9c: {  	s7 =	simm.s32 $0x0;
	s20 =	sshll.u32 s5, $0x1;
	s5 =	sadd.s32 s21, s3  }
0x9d: {  	[timem:s7], [sflag:s22] =	dma.local [hbm:s5], s20  }
0x9e: {  	_ =	swait.ge [sflag:s22], s20  }
0x9f: {  	s4 =	ssub.s32 $0x0, s20;
	[sflag:s22] =	ssyncset.done $0x0  }
0xa0: {  	[sflag:s22] =	ssyncadd.s32 s4;
	_ =	sdelay $0x1  }
0xa1: {  	s23 =	simm.s32 $0x1B8B  }
0xa2: {  	_ =	swait.ge [sflag:s23], $0x1  }
0xa3: {  	[sflag:s23] =	ssyncset.done $0x0  }
0xa4: {  	s25 =	simm.s32 $0x1B8E;
	s24 =	sld [smem:$0x3FFE];
	[sflag:s23] =	ssyncadd.s32 $0xFFFFFFFF  }
0xa5: {  	s26 =	simm.s32 $execute0_lowered;
	[smem:$0x3FD2] =	sst s25  }
0xa6: {  	s5 =	sshll.u32 s26, $0x1;
	_ =	strace $0x80000046;
	[dreg:$0x1] =	wrdreg $0xFFFFFFFF  }
0xa7: {  	s28 =	simm.s32 $_size_execute0_lowered;
	s3 =	sadd.s32 s3, s5;
	[dreg:$0x0] =	wrdreg $0x0  }
0xa8: {  	s5 =	sshll.u32 s28, $0x1;
	[dreg:$0x2] =	wrdreg s3  }
0xa9: {  	[dreg:$0x3] =	wrdreg s5  }
0xaa: {  	[dreg:$0x4] =	wrdreg $0xC0  }
0xab: {  	_ =	task [dreg:s7], $0x5FFFF  }
0xac: {  	[dreg:$0x1] =	wrdreg $0xFFFFFFFF  }
0xad: {  	[dreg:$0x0] =	wrdreg $0x60  }
0xae: {  	[dreg:$0x2] =	wrdreg s2  }
0xaf: {  	[dreg:$0x3] =	wrdreg s24  }
0xb0: {  	[dreg:$0x4] =	wrdreg $0x9  }
0xb1: {  	_ =	task.clear_ibuf [dreg:s7], $0x5FFFF;
	_ =	strace $0x90000046  }
0xb2: {  	s29 =	simm.s32 $0x9;
	_ =	strace $0x80000048  }
0xb3: {  	_ =	swait.ge [sflag:s29], $0x1  }
0xb4: {  	[sflag:s29] =	ssyncadd.s32 $0xFFFFFFFF  }
0xb5: {  	_ =	strace $0x90000048  }
0xb6: {  	_ =	sfence  }
0xb7: {  	s30 =	sld [smem:$0x0];
	_ =	sdelay $0x2  }
0xb8: {  	s31 =	sshll.u32 s1, $0xD;
	s1 =	sshrl.u32 s1, $0x2  }
0xb9: {  	s3 =	sand.u32 $0x4000, s31;
	s1 =	sadd.s32 s1, s30  }
0xba: {  	s0 =	sor.u32 s3, s0;
	s1 =	sshll.u32 s1, $0x11  }
0xbb: {  	s0 =	sor.u32 s1, s0  }
0xbc: {  	s0 =	sadd.s32 $0x8F2B, s0  }
0xbd: {  	[sflag:s0] =	ssyncadd.remote.s32 $0x1  }
0xbe: {  	_ =	sfence.sel $0xFFFF  }
0xbf: {  	[dreg:$0x0] =	wrdreg $0xFFFFFFFF;
	(pc) =	sbr.abs _section_cstart, $3  }
0xc0: {  	[dreg:$0x1] =	wrdreg $0xFFFFFFFF  }
0xc1: {  	_ =	task.clear_ibuf [dreg:s7], $0x2FFFF;
	_ =	strace $0x9FFFFFFF  }
0xc2: {  	(tm) =	ssettm $0x7FFFFFFF  }
0xc3: {  	_ =	shalt  }
tec
execute0_lowered:
.L_overlay_start_1:
0x0: {  	(tag) =	ssettag $0x1  }
0x1: {  	s1 =	srdreg.scid;
	s0 =	stileid.u32  }
0x2: {  	s18 =	sand.u32 $0x1, s1;
	s29 =	sshll.u32 s0, $0x1  }
0x3: {  	s2 =	rddreg [dreg:$0x0];
	s19 =	sor.u32 s18, s29  }
0x4: {  	s20 =	rddreg [dreg:$0x1];
	s4 =	smul.u32 $0x48, s19  }
0x5: {  	s3 =	simm.s32 $0x0;
	s1 =	rddreg [dreg:$0x2]  }
0x6: {  	[smem:$0x7FF] =	sst s3;
	s4 =	sadd.s32 s4, s20  }
0x7: {  	_ =	strace $0x80000047;
	s5 =	sadd.s32 $0x400, s4;
	s4 =	simm.s32 $0x2  }
0x8: {  	[tilespmem:s3], [sflag:$0x2] =	stream.linear.gather [hbm4b:s5+s3], $0x240, $0x38;
	[tilespmem:$0x9240] =	vst v63  }
0x9: {  	_ =	swait.ge [sflag:s4], $0x240  }
0xa: {  	[sflag:s4] =	ssyncset.done $0x0  }
0xb: {  	s6 =	simm.s32 $0x60;
	s7 =	simm.s32 $0x240;
	[sflag:s4] =	ssyncadd.s32 $0xFFFFFDC0  }
0xc: {  	[tilespmem:s7], [sflag:$0x1] =	stream.indirect.gather [hbm4b:s2+s6], $0x40, s3, s6, $0xb8;
	[tilespmem:$0x9240] =	vst v63  }
0xd: {  	s8 =	simm.s32 $0x1A40  }
0xe: {  	[tilespmem:s8], [sflag:$0x1] =	stream.indirect.gather [hbm4b:s2+s6], $0x40, s6, s6, $0xb8;
	[tilespmem:$0x9240] =	vst v63  }
0xf: {  	s9 =	simm.s32 $0xC0;
	s10 =	simm.s32 $0x3240  }
0x10: {  	[tilespmem:s10], [sflag:$0x1] =	stream.indirect.gather [hbm4b:s2+s6], $0x40, s9, s6, $0xb8;
	[tilespmem:$0x9240] =	vst v63  }
0x11: {  	s11 =	simm.s32 $0x120;
	s12 =	simm.s32 $0x4A40  }
0x12: {  	[tilespmem:s12], [sflag:$0x1] =	stream.indirect.gather [hbm4b:s2+s6], $0x40, s11, s6, $0xb8;
	[tilespmem:$0x9240] =	vst v63  }
0x13: {  	s13 =	simm.s32 $0x180;
	s14 =	simm.s32 $0x6240  }
0x14: {  	[tilespmem:s14], [sflag:$0x1] =	stream.indirect.gather [hbm4b:s2+s6], $0x40, s13, s6, $0xb8;
	[tilespmem:$0x9240] =	vst v63  }
0x15: {  	s15 =	simm.s32 $0x1E0;
	s16 =	simm.s32 $0x7A40;
	s17 =	simm.s32 $0x1  }
0x16: {  	[tilespmem:s16], [sflag:$0x1] =	stream.indirect.gather [hbm4b:s2+s6], $0x40, s15, s6, $0xb8;
	[tilespmem:$0x9240] =	vst v63  }
0x17: {  	_ =	swait.ge [sflag:s17], $0x1800  }
0x18: {  	[sflag:s17] =	ssyncset.done $0x0  }
0x19: {  	[sflag:s17] =	ssyncadd.s32 $0xFFFFE800  }
0x1a: {  	_ =	swait.ge [sflag:s17], $0x1800  }
0x1b: {  	[sflag:s17] =	ssyncset.done $0x0  }
0x1c: {  	[sflag:s17] =	ssyncadd.s32 $0xFFFFE800  }
0x1d: {  	_ =	swait.ge [sflag:s17], $0x1800  }
0x1e: {  	[sflag:s17] =	ssyncset.done $0x0  }
0x1f: {  	[sflag:s17] =	ssyncadd.s32 $0xFFFFE800  }
0x20: {  	_ =	swait.ge [sflag:s17], $0x1800  }
0x21: {  	[sflag:s17] =	ssyncset.done $0x0  }
0x22: {  	s18 =	ssub.s32 $0x2, s18;
	[sflag:s17] =	ssyncadd.s32 $0xFFFFE800  }
0x23: {  	s21 =	sshrl.u32 s18, $0x1;
	_ =	swait.ge [sflag:s17], $0x1800  }
0x24: {  	s30 =	ssub.s32 s18, s21;
	[sflag:s17] =	ssyncset.done $0x0  }
0x25: {  	s19 =	smul.u32 $0x1200, s19;
	s31 =	smax.u32 s30, $0x1;
	[sflag:s17] =	ssyncadd.s32 $0xFFFFE800  }
0x26: {  	p0 =	sne.s32 s31, $0x1;
	_ =	swait.ge [sflag:s17], $0x1800  }
.Ltmp0:
0x27: {  	s19 =	sadd.s32 s19, s20;
	[sflag:s17] =	ssyncset.done $0x0;
	(pc) =	sbr.rel @!p0 .LBB2_2-.Ltmp0, $4  }
0x28: {  	s18 =	sadd.s32 $0xE00, s19;
	[sflag:s17] =	ssyncadd.s32 $0xFFFFE800  }
0x29: {  	[hbm4b:s18+s3] =	stream.linear.scatter [tilespmem:s7], [sflag:$0x2], $0x9000, $0x38;
	[tilespmem:$0x9240] =	vst v63  }
0x2a: {  	_ =	swait.ge [sflag:s4], $0x9000  }
0x2b: {  	s19 =	sadd.s32 $0xFFFFFFFF, s31;
	[sflag:s4] =	ssyncset.done $0x0  }
.LBB2_1:
0x2c: {  	p0 =	sne.s32 s19, $0x1;
	s19 =	sadd.s32 $0xFFFFFFFF, s19;
	[sflag:s4] =	ssyncadd.s32 $0xFFFF7000  }
0x2d: {  	[tilespmem:s3], [sflag:$0x2] =	stream.linear.gather [hbm4b:s5+s3], $0x240, $0x38;
	[tilespmem:$0x9240] =	vst v63  }
0x2e: {  	_ =	swait.ge [sflag:s4], $0x240  }
0x2f: {  	[sflag:s4] =	ssyncset.done $0x0  }
0x30: {  	[sflag:s4] =	ssyncadd.s32 $0xFFFFFDC0  }
0x31: {  	[tilespmem:s7], [sflag:$0x1] =	stream.indirect.gather [hbm4b:s2+s6], $0x40, s3, s6, $0xb8;
	[tilespmem:$0x9240] =	vst v63  }
0x32: {  	_ = 	snop  }
0x33: {  	[tilespmem:s8], [sflag:$0x1] =	stream.indirect.gather [hbm4b:s2+s6], $0x40, s6, s6, $0xb8;
	[tilespmem:$0x9240] =	vst v63  }
0x34: {  	_ = 	snop  }
0x35: {  	[tilespmem:s10], [sflag:$0x1] =	stream.indirect.gather [hbm4b:s2+s6], $0x40, s9, s6, $0xb8;
	[tilespmem:$0x9240] =	vst v63  }
0x36: {  	_ = 	snop  }
0x37: {  	[tilespmem:s12], [sflag:$0x1] =	stream.indirect.gather [hbm4b:s2+s6], $0x40, s11, s6, $0xb8;
	[tilespmem:$0x9240] =	vst v63  }
0x38: {  	_ = 	snop  }
0x39: {  	[tilespmem:s14], [sflag:$0x1] =	stream.indirect.gather [hbm4b:s2+s6], $0x40, s13, s6, $0xb8;
	[tilespmem:$0x9240] =	vst v63  }
0x3a: {  	_ = 	snop  }
0x3b: {  	[tilespmem:s16], [sflag:$0x1] =	stream.indirect.gather [hbm4b:s2+s6], $0x40, s15, s6, $0xb8;
	[tilespmem:$0x9240] =	vst v63  }
0x3c: {  	_ =	swait.ge [sflag:s17], $0x1800  }
0x3d: {  	[sflag:s17] =	ssyncset.done $0x0  }
0x3e: {  	[sflag:s17] =	ssyncadd.s32 $0xFFFFE800  }
0x3f: {  	_ =	swait.ge [sflag:s17], $0x1800  }
0x40: {  	[sflag:s17] =	ssyncset.done $0x0  }
0x41: {  	[sflag:s17] =	ssyncadd.s32 $0xFFFFE800  }
0x42: {  	_ =	swait.ge [sflag:s17], $0x1800  }
0x43: {  	[sflag:s17] =	ssyncset.done $0x0  }
0x44: {  	[sflag:s17] =	ssyncadd.s32 $0xFFFFE800  }
0x45: {  	_ =	swait.ge [sflag:s17], $0x1800  }
0x46: {  	[sflag:s17] =	ssyncset.done $0x0  }
0x47: {  	[sflag:s17] =	ssyncadd.s32 $0xFFFFE800  }
0x48: {  	_ =	swait.ge [sflag:s17], $0x1800  }
0x49: {  	[sflag:s17] =	ssyncset.done $0x0  }
0x4a: {  	[sflag:s17] =	ssyncadd.s32 $0xFFFFE800  }
0x4b: {  	_ =	swait.ge [sflag:s17], $0x1800  }
.Ltmp1:
0x4c: {  	[sflag:s17] =	ssyncset.done $0x0;
	(pc) =	sbr.rel @p0 .LBB2_1-.Ltmp1, $4  }
0x4d: {  	[sflag:s17] =	ssyncadd.s32 $0xFFFFE800  }
0x4e: {  	[hbm4b:s18+s3] =	stream.linear.scatter [tilespmem:s7], [sflag:$0x2], $0x9000, $0x38;
	[tilespmem:$0x9240] =	vst v63  }
0x4f: {  	_ =	swait.ge [sflag:s4], $0x9000  }
0x50: {  	[sflag:s4] =	ssyncset.done $0x0  }
.LBB2_2:
0x51: {  	[sflag:s4] =	ssyncadd.s32 $0xFFFF7000  }
0x52: {  	_ =	sfence.sel $0x180000  }
0x53: {  	[bflag:$0x0] =	sbarrier.arrive $0xFFFF  }
0x54: {  	p0 =	sne.s32 s0, $0x0;
	_ =	strace $0x90000047  }
0x55: {  	s0 =	sadd.s32 @!p0 $0x100000, s1;
	[bflag:$0x2] =	sbarrier.arrive $0xFFFF  }
0x56: {  	[sflag:s0] =	ssyncadd.tile.s32 @!p0 $0x1;
	_ =	shalt  }
.Lfunc_end2:
_tile_overlayer_lowered:
.L_overlay_start_2:
0x57: {  	(tag) =	ssettag $0x2  }
0x58: {  	s0 =	rddreg [dreg:$0x0];
	s2 =	stileid.u32  }
0x59: {  	s1 =	rddreg [dreg:$0x1];
	p0 =	sne.s32 s2, $0x0  }
0x5a: {  	s3 =	rddreg [dreg:$0x2];
	[bflag:$0x3] =	sbarrier.arrive $0xFFFF;
	s2 =	simm.s32 @!p0 $0x1C02  }
0x5b: {  	[timem:s3], [sflag:s2] =	dma.local @!p0 [hbm:s0], s1  }
0x5c: {  	s0 =	simm.s32 @!p0 $0x2  }
0x5d: {  	_ =	swait.ge @!p0 [sflag:s0], s1  }
0x5e: {  	s1 =	ssub.s32 @!p0 $0x0, s1;
	[sflag:s0] =	ssyncset.done @!p0 $0x0  }
0x5f: {  	[sflag:s0] =	ssyncadd.s32 @!p0 s1  }
0x60: {  	[bflag:$0x3] =	sbarrier.arrive $0xFFFF  }
0x61: {  	_ =	shalt  }

</sc_bundles>
